<compile_context>
chip_gen: v7x
topology: tpu7x:2x2x1
jax: 0.10.2.dev20260603
libtpu: 0.0.44.dev20260713+nightly
codegen_flags: <defaults>
</compile_context>

<pallas_src>
import functools

import jax
import jax.numpy as jnp
from jax import lax
from jax.experimental import pallas as pl
from jax.experimental.pallas import tpu as pltpu
from jax.experimental.pallas import tpu_sc as plsc

_B, _H, _W = 16, 2048, 2048
_K = 64
_NW = 32
_EPT = _B * _K // _NW
_RB = 1024
_NRB = _H // _RB

_mesh = plsc.VectorSubcoreMesh(core_axis_name="c", subcore_axis_name="s",
                               num_cores=2, num_subcores=16)


@functools.partial(
    pl.kernel,
    out_type=jax.ShapeDtypeStruct((_B * _K, _W), jnp.float32),
    mesh=_mesh,
    compiler_params=pltpu.CompilerParams(needs_layout_passes=False),
    scratch_types=[
        pltpu.VMEM((_EPT,), jnp.int32),
        pltpu.VMEM((_EPT,), jnp.int32),
        pltpu.VMEM((_EPT,), jnp.float32),
        pltpu.VMEM((_EPT, _W), jnp.float32),
        pltpu.SemaphoreType.DMA,
    ],
)
def _sc_patch(Y2, idx_hbm, off_hbm, val_hbm, patch, idx_v, off_v, val_v,
              rows_v, sem_g):
    wid = lax.axis_index("s") * 2 + lax.axis_index("c")
    pltpu.sync_copy(idx_hbm.at[wid], idx_v)
    pltpu.sync_copy(off_hbm.at[wid], off_v)
    pltpu.sync_copy(val_hbm.at[wid], val_v)
    pltpu.async_copy(Y2.at[idx_v], rows_v, sem_g).wait()
    for g in range(_EPT // 16):
        rows = lax.iota(jnp.int32, 16) + g * 16
        cols = off_v[pl.ds(g * 16, 16)]
        vals = val_v[pl.ds(g * 16, 16)]
        plsc.addupdate_scatter(rows_v, [rows, cols], vals)
    pltpu.sync_copy(rows_v, patch.at[pl.ds(wid * _EPT, _EPT)])


def _tc_body(y_s, lo_s, hi_s, P_ref, Yb_ref, out_ref):
    b = pl.program_id(0)
    rb = pl.program_id(1)
    out_ref[...] = Yb_ref[...]

    def upd(k, carry):
        local = y_s[k] - rb * _RB
        out_ref[0, pl.ds(local, 1), :] = P_ref[0, pl.ds(k, 1), :]
        return carry

    jax.lax.fori_loop(lo_s[rb], hi_s[rb], upd, 0)


def kernel(Y, X, y_idx, x_idx):
    bb = jnp.repeat(jnp.arange(_B, dtype=jnp.int32), _K)
    yk = jnp.tile(y_idx, (_B,))
    xk = jnp.tile(x_idx, (_B,))
    row_e = (bb * _H + yk).reshape(_NW, _EPT)
    off_e = xk.reshape(_NW, _EPT)
    val_e = X.reshape(_NW, _EPT)

    patch = _sc_patch(Y.reshape(_B * _H, _W), row_e, off_e, val_e)

    edges = jnp.arange(_NRB, dtype=jnp.int32) * _RB
    lo = jnp.searchsorted(y_idx, edges).astype(jnp.int32)
    hi = jnp.searchsorted(y_idx, edges + _RB).astype(jnp.int32)

    out = pl.pallas_call(
        _tc_body,
        grid_spec=pltpu.PrefetchScalarGridSpec(
            num_scalar_prefetch=3,
            grid=(_B, _NRB),
            in_specs=[
                pl.BlockSpec((1, _K, _W), lambda b, rb, *_: (b, 0, 0)),
                pl.BlockSpec((1, _RB, _W), lambda b, rb, *_: (b, rb, 0)),
            ],
            out_specs=pl.BlockSpec((1, _RB, _W), lambda b, rb, *_: (b, rb, 0)),
        ),
        out_shape=jax.ShapeDtypeStruct((_B, _H, _W), jnp.float32),
    )(y_idx, lo, hi, patch.reshape(_B, _K, _W), Y)
    return out

# --- scband reference (transcript-rebuilt; emitter-appended) ---
"""Pipeline reference for scband-wave-source-46823733461665 (READ-ONLY COPY).

The authoritative reference and input builder live on the scoring server;
editing this copy changes nothing except your own understanding.
"""

import jax, jax.numpy as jnp
import numpy as np

Y_COORDS = [7, 38, 69, 100, 131, 162, 193, 224, 255, 286, 317, 348, 379, 410, 441, 472, 503, 534, 565, 596, 627, 658, 689, 720, 751, 782, 813, 844, 875, 906, 937, 968, 999, 1030, 1061, 1092, 1123, 1154, 1185, 1216, 1247, 1278, 1309, 1340, 1371, 1402, 1433, 1464, 1495, 1526, 1557, 1588, 1619, 1650, 1681, 1712, 1743, 1774, 1805, 1836, 1867, 1898, 1929, 1960]
X_COORDS = [0, 32, 64, 96, 128, 160, 192, 224, 256, 288, 320, 352, 384, 416, 448, 480, 512, 544, 576, 608, 640, 672, 704, 736, 768, 800, 832, 864, 896, 928, 960, 992, 1024, 1056, 1088, 1120, 1152, 1184, 1216, 1248, 1280, 1312, 1344, 1376, 1408, 1440, 1472, 1504, 1536, 1568, 1600, 1632, 1664, 1696, 1728, 1760, 1792, 1824, 1856, 1888, 1920, 1952, 1984, 2016]

def setup_inputs(seed: int = 0) -> dict:
    key = jax.random.key(seed)
    k1, k2 = jax.random.split(key)
    Y = jax.random.normal(k1, (16, 2048, 2048), dtype=jnp.float32)
    X = jax.random.normal(k2, (16, 64), dtype=jnp.float32)
    y_idx = jnp.array(Y_COORDS, dtype=jnp.int32)
    x_idx = jnp.array(X_COORDS, dtype=jnp.int32)
    return {"Y": Y, "X": X, "y_idx": y_idx, "x_idx": x_idx}

def reference(Y, X, y_idx, x_idx):
    # WaveSource.forward2d: Y[..., y, x] += dt * X  (dt = 1.0 default)
    dt = 1.0
    return Y.at[..., y_idx, x_idx].add(dt * X)

if __name__ == "__main__":
    import jax
    _d = setup_inputs()
    print(jax.jit(kernel)(*tuple(_d.values())))

</pallas_src>

<mosaic_0001>
#map = affine_map<(d0, d1) -> (0, 0)>
module attributes {stable_mosaic.version = 14 : i64} {
  func.func @_sc_patch(%arg0: i32, %arg1: i32, %arg2: memref<32768x2048xf32, #tpu.memory_space<hbm>>, %arg3: memref<32x32xi32, #tpu.memory_space<hbm>>, %arg4: memref<32x32xi32, #tpu.memory_space<hbm>>, %arg5: memref<32x32xf32, #tpu.memory_space<hbm>>, %arg6: memref<1024x2048xf32, #tpu.memory_space<hbm>>, %arg7: memref<32xi32, #tpu.memory_space<vmem>>, %arg8: memref<32xi32, #tpu.memory_space<vmem>>, %arg9: memref<32xf32, #tpu.memory_space<vmem>>, %arg10: memref<32x2048xf32, #tpu.memory_space<vmem>>, %arg11: memref<!tpu.dma_semaphore, #tpu.memory_space<semaphore_mem>>) attributes {dimension_semantics = [#tpu.dimension_semantics<core_parallel>, #tpu.dimension_semantics<subcore_parallel>], iteration_bounds = array<i64: 2, 16>, scalar_prefetch = 0 : i64, scratch_operands = 5 : i64, tpu.core_type = #tpu.core_type<sc_vector_subcore>, window_params = [{transform_indices = #map}, {transform_indices = #map}, {transform_indices = #map}, {transform_indices = #map}, {transform_indices = #map}]} {
    %mul3A = arith.constant 2 : i32
    %mul3A_0 = arith.muli %arg1, %mul3A : i32
    %add3A = arith.addi %mul3A_0, %arg0 : i32
    "tpu.region"() ({
      %run_scoped3A = tpu.sem_alloc : memref<!tpu.dma_semaphore, #tpu.memory_space<semaphore_mem>>
      %dma_start3A_21 = arith.constant 0 : i32
      %dma_start3A_22 = tpu.memref_slice %arg3[%add3A, %dma_start3A_21] : memref<32x32xi32, #tpu.memory_space<hbm>> -> memref<1x32xi32, #tpu.memory_space<hbm>>
      %dma_start3A_23 = tpu.memref_squeeze %dma_start3A_22 : memref<1x32xi32, #tpu.memory_space<hbm>> -> memref<32xi32, #tpu.memory_space<hbm>>
      %dma_start3A_24 = arith.constant 0 : i32
      %dma_start3A_25 = tpu.memref_slice %arg3[%add3A, %dma_start3A_24] : memref<32x32xi32, #tpu.memory_space<hbm>> -> memref<1x32xi32, #tpu.memory_space<hbm>>
      %dma_start3A_26 = tpu.memref_squeeze %dma_start3A_25 : memref<1x32xi32, #tpu.memory_space<hbm>> -> memref<32xi32, #tpu.memory_space<hbm>>
      tpu.enqueue_dma source(%dma_start3A_26 : memref<32xi32, #tpu.memory_space<hbm>>) target(%arg7 : memref<32xi32, #tpu.memory_space<vmem>>) target_semaphore(%run_scoped3A : memref<!tpu.dma_semaphore, #tpu.memory_space<semaphore_mem>>)
      %dma_wait3A_27 = arith.constant 0 : i32
      %dma_wait3A_28 = tpu.memref_slice %arg3[%add3A, %dma_wait3A_27] : memref<32x32xi32, #tpu.memory_space<hbm>> -> memref<1x32xi32, #tpu.memory_space<hbm>>
      %dma_wait3A_29 = tpu.memref_squeeze %dma_wait3A_28 : memref<1x32xi32, #tpu.memory_space<hbm>> -> memref<32xi32, #tpu.memory_space<hbm>>
      %dma_wait3A_30 = arith.constant 0 : i32
      %dma_wait3A_31 = tpu.memref_slice %arg3[%add3A, %dma_wait3A_30] : memref<32x32xi32, #tpu.memory_space<hbm>> -> memref<1x32xi32, #tpu.memory_space<hbm>>
      %dma_wait3A_32 = tpu.memref_squeeze %dma_wait3A_31 : memref<1x32xi32, #tpu.memory_space<hbm>> -> memref<32xi32, #tpu.memory_space<hbm>>
      tpu.wait_dma2 semaphore(%run_scoped3A : memref<!tpu.dma_semaphore, #tpu.memory_space<semaphore_mem>>) src(%dma_wait3A_32 : memref<32xi32, #tpu.memory_space<hbm>>) dst(%arg7 : memref<32xi32, #tpu.memory_space<vmem>>)
      tpu.yield
    }) : () -> ()
    "tpu.region"() ({
      %run_scoped3A = tpu.sem_alloc : memref<!tpu.dma_semaphore, #tpu.memory_space<semaphore_mem>>
      %dma_start3A_21 = arith.constant 0 : i32
      %dma_start3A_22 = tpu.memref_slice %arg4[%add3A, %dma_start3A_21] : memref<32x32xi32, #tpu.memory_space<hbm>> -> memref<1x32xi32, #tpu.memory_space<hbm>>
      %dma_start3A_23 = tpu.memref_squeeze %dma_start3A_22 : memref<1x32xi32, #tpu.memory_space<hbm>> -> memref<32xi32, #tpu.memory_space<hbm>>
      %dma_start3A_24 = arith.constant 0 : i32
      %dma_start3A_25 = tpu.memref_slice %arg4[%add3A, %dma_start3A_24] : memref<32x32xi32, #tpu.memory_space<hbm>> -> memref<1x32xi32, #tpu.memory_space<hbm>>
      %dma_start3A_26 = tpu.memref_squeeze %dma_start3A_25 : memref<1x32xi32, #tpu.memory_space<hbm>> -> memref<32xi32, #tpu.memory_space<hbm>>
      tpu.enqueue_dma source(%dma_start3A_26 : memref<32xi32, #tpu.memory_space<hbm>>) target(%arg8 : memref<32xi32, #tpu.memory_space<vmem>>) target_semaphore(%run_scoped3A : memref<!tpu.dma_semaphore, #tpu.memory_space<semaphore_mem>>)
      %dma_wait3A_27 = arith.constant 0 : i32
      %dma_wait3A_28 = tpu.memref_slice %arg4[%add3A, %dma_wait3A_27] : memref<32x32xi32, #tpu.memory_space<hbm>> -> memref<1x32xi32, #tpu.memory_space<hbm>>
      %dma_wait3A_29 = tpu.memref_squeeze %dma_wait3A_28 : memref<1x32xi32, #tpu.memory_space<hbm>> -> memref<32xi32, #tpu.memory_space<hbm>>
      %dma_wait3A_30 = arith.constant 0 : i32
      %dma_wait3A_31 = tpu.memref_slice %arg4[%add3A, %dma_wait3A_30] : memref<32x32xi32, #tpu.memory_space<hbm>> -> memref<1x32xi32, #tpu.memory_space<hbm>>
      %dma_wait3A_32 = tpu.memref_squeeze %dma_wait3A_31 : memref<1x32xi32, #tpu.memory_space<hbm>> -> memref<32xi32, #tpu.memory_space<hbm>>
      tpu.wait_dma2 semaphore(%run_scoped3A : memref<!tpu.dma_semaphore, #tpu.memory_space<semaphore_mem>>) src(%dma_wait3A_32 : memref<32xi32, #tpu.memory_space<hbm>>) dst(%arg8 : memref<32xi32, #tpu.memory_space<vmem>>)
      tpu.yield
    }) : () -> ()
    "tpu.region"() ({
      %run_scoped3A = tpu.sem_alloc : memref<!tpu.dma_semaphore, #tpu.memory_space<semaphore_mem>>
      %dma_start3A_21 = arith.constant 0 : i32
      %dma_start3A_22 = tpu.memref_slice %arg5[%add3A, %dma_start3A_21] : memref<32x32xf32, #tpu.memory_space<hbm>> -> memref<1x32xf32, #tpu.memory_space<hbm>>
      %dma_start3A_23 = tpu.memref_squeeze %dma_start3A_22 : memref<1x32xf32, #tpu.memory_space<hbm>> -> memref<32xf32, #tpu.memory_space<hbm>>
      %dma_start3A_24 = arith.constant 0 : i32
      %dma_start3A_25 = tpu.memref_slice %arg5[%add3A, %dma_start3A_24] : memref<32x32xf32, #tpu.memory_space<hbm>> -> memref<1x32xf32, #tpu.memory_space<hbm>>
      %dma_start3A_26 = tpu.memref_squeeze %dma_start3A_25 : memref<1x32xf32, #tpu.memory_space<hbm>> -> memref<32xf32, #tpu.memory_space<hbm>>
      tpu.enqueue_dma source(%dma_start3A_26 : memref<32xf32, #tpu.memory_space<hbm>>) target(%arg9 : memref<32xf32, #tpu.memory_space<vmem>>) target_semaphore(%run_scoped3A : memref<!tpu.dma_semaphore, #tpu.memory_space<semaphore_mem>>)
      %dma_wait3A_27 = arith.constant 0 : i32
      %dma_wait3A_28 = tpu.memref_slice %arg5[%add3A, %dma_wait3A_27] : memref<32x32xf32, #tpu.memory_space<hbm>> -> memref<1x32xf32, #tpu.memory_space<hbm>>
      %dma_wait3A_29 = tpu.memref_squeeze %dma_wait3A_28 : memref<1x32xf32, #tpu.memory_space<hbm>> -> memref<32xf32, #tpu.memory_space<hbm>>
      %dma_wait3A_30 = arith.constant 0 : i32
      %dma_wait3A_31 = tpu.memref_slice %arg5[%add3A, %dma_wait3A_30] : memref<32x32xf32, #tpu.memory_space<hbm>> -> memref<1x32xf32, #tpu.memory_space<hbm>>
      %dma_wait3A_32 = tpu.memref_squeeze %dma_wait3A_31 : memref<1x32xf32, #tpu.memory_space<hbm>> -> memref<32xf32, #tpu.memory_space<hbm>>
      tpu.wait_dma2 semaphore(%run_scoped3A : memref<!tpu.dma_semaphore, #tpu.memory_space<semaphore_mem>>) src(%dma_wait3A_32 : memref<32xf32, #tpu.memory_space<hbm>>) dst(%arg9 : memref<32xf32, #tpu.memory_space<vmem>>)
      tpu.yield
    }) : () -> ()
    %dma_start3A = arith.constant 0 : i32
    %dma_start3A_1 = arith.constant 0 : i32
    %dma_start3A_2 = tpu.memref_slice %arg2[%dma_start3A, %dma_start3A_1] : memref<32768x2048xf32, #tpu.memory_space<hbm>> -> memref<32768x2048xf32, #tpu.memory_space<hbm>>
    tpu.enqueue_indirect_dma source(%dma_start3A_2 : memref<32768x2048xf32, #tpu.memory_space<hbm>>) target(%arg10 : memref<32x2048xf32, #tpu.memory_space<vmem>>) offsets(%arg7 : memref<32xi32, #tpu.memory_space<vmem>>) semaphore(%arg11 : memref<!tpu.dma_semaphore, #tpu.memory_space<semaphore_mem>>)
    %dma_wait3A = arith.constant 0 : i32
    %dma_wait3A_3 = arith.constant 0 : i32
    %dma_wait3A_4 = tpu.memref_slice %arg2[%dma_wait3A, %dma_wait3A_3] : memref<32768x2048xf32, #tpu.memory_space<hbm>> -> memref<32768x2048xf32, #tpu.memory_space<hbm>>
    tpu.wait_indirect_dma semaphore(%arg11 : memref<!tpu.dma_semaphore, #tpu.memory_space<semaphore_mem>>) src(%dma_wait3A_4 : memref<32768x2048xf32, #tpu.memory_space<hbm>>) dst(%arg10 : memref<32x2048xf32, #tpu.memory_space<vmem>>)
    %iota3A = tpu.iota {dimensions = array<i32: 0>} : vector<16xi32>
    %add3A_5 = arith.constant 0 : i32
    %add3A_6 = vector.broadcast %add3A_5 : i32 to vector<16xi32>
    %add3A_7 = arith.addi %iota3A, %add3A_6 : vector<16xi32>
    %get3A = arith.constant 0 : index
    %get3A_8 = tpu.vector_load %arg8[%get3A] {strides = array<i32>} : memref<32xi32, #tpu.memory_space<vmem>>, vector<16xi32>,
    %get3A_9 = arith.constant 0 : index
    %get3A_10 = tpu.vector_load %arg9[%get3A_9] {strides = array<i32>} : memref<32xf32, #tpu.memory_space<vmem>>, vector<16xf32>,
    tpu.vector_store_idx %arg10[%add3A_7, %get3A_8], %get3A_10 {add = true} : memref<32x2048xf32, #tpu.memory_space<vmem>>[vector<16xi32>, vector<16xi32>], vector<16xf32>,
    %iota3A_11 = tpu.iota {dimensions = array<i32: 0>} : vector<16xi32>
    %add3A_12 = arith.constant 16 : i32
    %add3A_13 = vector.broadcast %add3A_12 : i32 to vector<16xi32>
    %add3A_14 = arith.addi %iota3A_11, %add3A_13 : vector<16xi32>
    %get3A_15 = arith.constant 16 : index
    %get3A_16 = tpu.vector_load %arg8[%get3A_15] {strides = array<i32>} : memref<32xi32, #tpu.memory_space<vmem>>, vector<16xi32>,
    %get3A_17 = arith.constant 16 : index
    %get3A_18 = tpu.vector_load %arg9[%get3A_17] {strides = array<i32>} : memref<32xf32, #tpu.memory_space<vmem>>, vector<16xf32>,
    tpu.vector_store_idx %arg10[%add3A_14, %get3A_16], %get3A_18 {add = true} : memref<32x2048xf32, #tpu.memory_space<vmem>>[vector<16xi32>, vector<16xi32>], vector<16xf32>,
    %mul3A_19 = arith.constant 32 : i32
    %mul3A_20 = arith.muli %add3A, %mul3A_19 : i32
    "tpu.region"() ({
      %run_scoped3A = tpu.sem_alloc : memref<!tpu.dma_semaphore, #tpu.memory_space<semaphore_mem>>
      %dma_start3A_21 = arith.constant 0 : i32
      %dma_start3A_22 = tpu.memref_slice %arg6[%mul3A_20, %dma_start3A_21] : memref<1024x2048xf32, #tpu.memory_space<hbm>> -> memref<32x2048xf32, #tpu.memory_space<hbm>>
      %dma_start3A_23 = arith.constant 0 : i32
      %dma_start3A_24 = tpu.memref_slice %arg6[%mul3A_20, %dma_start3A_23] : memref<1024x2048xf32, #tpu.memory_space<hbm>> -> memref<32x2048xf32, #tpu.memory_space<hbm>>
      tpu.enqueue_dma source(%arg10 : memref<32x2048xf32, #tpu.memory_space<vmem>>) target(%dma_start3A_24 : memref<32x2048xf32, #tpu.memory_space<hbm>>) target_semaphore(%run_scoped3A : memref<!tpu.dma_semaphore, #tpu.memory_space<semaphore_mem>>)
      %dma_wait3A_25 = arith.constant 0 : i32
      %dma_wait3A_26 = tpu.memref_slice %arg6[%mul3A_20, %dma_wait3A_25] : memref<1024x2048xf32, #tpu.memory_space<hbm>> -> memref<32x2048xf32, #tpu.memory_space<hbm>>
      %dma_wait3A_27 = arith.constant 0 : i32
      %dma_wait3A_28 = tpu.memref_slice %arg6[%mul3A_20, %dma_wait3A_27] : memref<1024x2048xf32, #tpu.memory_space<hbm>> -> memref<32x2048xf32, #tpu.memory_space<hbm>>
      tpu.wait_dma2 semaphore(%run_scoped3A : memref<!tpu.dma_semaphore, #tpu.memory_space<semaphore_mem>>) src(%arg10 : memref<32x2048xf32, #tpu.memory_space<vmem>>) dst(%dma_wait3A_28 : memref<32x2048xf32, #tpu.memory_space<hbm>>)
      tpu.yield
    }) : () -> ()
    return
  }
}

module attributes {stable_mosaic.version = 14 : i64} {
  func.func @_tc_body(%arg0: i32, %arg1: i32, %arg2: memref<64xi32, #tpu.memory_space<smem>>, %arg3: memref<2xi32, #tpu.memory_space<smem>>, %arg4: memref<2xi32, #tpu.memory_space<smem>>, %arg5: memref<1x64x2048xf32, #tpu.memory_space<vmem>>, %arg6: memref<1x1024x2048xf32, #tpu.memory_space<vmem>>, %arg7: memref<1x1024x2048xf32, #tpu.memory_space<vmem>>) attributes {dimension_semantics = [#tpu.dimension_semantics<arbitrary>, #tpu.dimension_semantics<arbitrary>], iteration_bounds = array<i64: 16, 2>, scalar_prefetch = 3 : i64, scratch_operands = 0 : i64, tpu.core_type = #tpu.core_type<tc>, window_params = [{transform_indices = @transform_0, window_bounds = array<i64: 1, 64, 2048>}, {transform_indices = @transform_1, window_bounds = array<i64: 1, 1024, 2048>}, {transform_indices = @transform_2, window_bounds = array<i64: 1, 1024, 2048>}]} {
    %get3A = arith.constant 0 : index
    %get3A_0 = arith.constant 0 : index
    %get3A_1 = arith.constant 0 : index
    %get3A_2 = vector.load %arg6[%get3A, %get3A_0, %get3A_1] : memref<1x1024x2048xf32, #tpu.memory_space<vmem>>, vector<1x1024x2048xf32>
    %swap3A = arith.constant 0 : index
    %swap3A_3 = arith.constant 0 : index
    %swap3A_4 = arith.constant 0 : index
    %swap3A_5 = vector.load %arg7[%swap3A, %swap3A_3, %swap3A_4] : memref<1x1024x2048xf32, #tpu.memory_space<vmem>>, vector<1x1024x2048xf32>
    tpu.vector_store %arg7[%swap3A, %swap3A_3, %swap3A_4], %get3A_2 {strides = array<i32>} : memref<1x1024x2048xf32, #tpu.memory_space<vmem>>, vector<1x1024x2048xf32>,
    %get3A_6 = arith.index_cast %arg1 : i32 to index
    %get3A_7 = memref.load %arg3[%get3A_6] : memref<2xi32, #tpu.memory_space<smem>>
    %get3A_8 = arith.index_cast %arg1 : i32 to index
    %get3A_9 = memref.load %arg4[%get3A_8] : memref<2xi32, #tpu.memory_space<smem>>
    %while3A = arith.constant 0 : i32
    %while3A_10 = arith.subi %get3A_9, %get3A_7 : i32
    %while3A_11 = arith.addi %get3A_7, %while3A_10 : i32
    %while3A_12 = arith.constant 1 : i32
    %while3A_13 = arith.divsi %while3A_10, %while3A_12 : i32
    %while3A_14 = arith.muli %while3A_13, %while3A_12 : i32
    %while3A_15 = arith.addi %get3A_7, %while3A_14 : i32
    %while3A_16 = arith.constant 1 : i32
    scf.for %while3A_18 = %get3A_7 to %while3A_15 step %while3A_16  : i32 {
      %get3A_19 = arith.index_cast %while3A_18 : i32 to index
      %get3A_20 = memref.load %arg2[%get3A_19] : memref<64xi32, #tpu.memory_space<smem>>
      %mul3A = arith.constant 1024 : i32
      %mul3A_21 = arith.muli %arg1, %mul3A : i32
      %sub3A = arith.subi %get3A_20, %mul3A_21 : i32
      %get3A_22 = arith.constant 0 : index
      %get3A_23 = arith.index_cast %while3A_18 : i32 to index
      %get3A_24 = arith.constant 0 : index
      %get3A_25 = vector.load %arg5[%get3A_22, %get3A_23, %get3A_24] : memref<1x64x2048xf32, #tpu.memory_space<vmem>>, vector<1x1x2048xf32>
      %get3A_26 = vector.shape_cast %get3A_25 : vector<1x1x2048xf32> to vector<1x2048xf32>
      %swap3A_27 = arith.constant 0 : index
      %swap3A_28 = arith.index_cast %sub3A : i32 to index
      %swap3A_29 = arith.constant 0 : index
      %swap3A_30 = vector.load %arg7[%swap3A_27, %swap3A_28, %swap3A_29] : memref<1x1024x2048xf32, #tpu.memory_space<vmem>>, vector<1x1x2048xf32>
      %swap3A_31 = vector.shape_cast %swap3A_30 : vector<1x1x2048xf32> to vector<1x2048xf32>
      %swap3A_32 = vector.shape_cast %get3A_26 : vector<1x2048xf32> to vector<1x1x2048xf32>
      tpu.vector_store %arg7[%swap3A_27, %swap3A_28, %swap3A_29], %swap3A_32 {strides = array<i32>} : memref<1x1024x2048xf32, #tpu.memory_space<vmem>>, vector<1x1x2048xf32>,
    }
    %while3A_17 = arith.constant 1 : i32
    scf.for %while3A_18 = %while3A_15 to %while3A_11 step %while3A_17  : i32 {
      %get3A_19 = arith.index_cast %while3A_18 : i32 to index
      %get3A_20 = memref.load %arg2[%get3A_19] : memref<64xi32, #tpu.memory_space<smem>>
      %mul3A = arith.constant 1024 : i32
      %mul3A_21 = arith.muli %arg1, %mul3A : i32
      %sub3A = arith.subi %get3A_20, %mul3A_21 : i32
      %get3A_22 = arith.constant 0 : index
      %get3A_23 = arith.index_cast %while3A_18 : i32 to index
      %get3A_24 = arith.constant 0 : index
      %get3A_25 = vector.load %arg5[%get3A_22, %get3A_23, %get3A_24] : memref<1x64x2048xf32, #tpu.memory_space<vmem>>, vector<1x1x2048xf32>
      %get3A_26 = vector.shape_cast %get3A_25 : vector<1x1x2048xf32> to vector<1x2048xf32>
      %swap3A_27 = arith.constant 0 : index
      %swap3A_28 = arith.index_cast %sub3A : i32 to index
      %swap3A_29 = arith.constant 0 : index
      %swap3A_30 = vector.load %arg7[%swap3A_27, %swap3A_28, %swap3A_29] : memref<1x1024x2048xf32, #tpu.memory_space<vmem>>, vector<1x1x2048xf32>
      %swap3A_31 = vector.shape_cast %swap3A_30 : vector<1x1x2048xf32> to vector<1x2048xf32>
      %swap3A_32 = vector.shape_cast %get3A_26 : vector<1x2048xf32> to vector<1x1x2048xf32>
      tpu.vector_store %arg7[%swap3A_27, %swap3A_28, %swap3A_29], %swap3A_32 {strides = array<i32>} : memref<1x1024x2048xf32, #tpu.memory_space<vmem>>, vector<1x1x2048xf32>,
    }
    return
  }
  func.func @transform_0(%arg0: i32, %arg1: i32, %arg2: memref<64xi32, #tpu.memory_space<smem>>, %arg3: memref<2xi32, #tpu.memory_space<smem>>, %arg4: memref<2xi32, #tpu.memory_space<smem>>) -> (i32, i32, i32) {
    %c0_i32 = arith.constant 0 : i32
    %c0_i32_0 = arith.constant 0 : i32
    %c0_i32_1 = arith.constant 0 : i32
    return %arg0, %c0_i32, %c0_i32_0 : i32, i32, i32
  }
  func.func @transform_1(%arg0: i32, %arg1: i32, %arg2: memref<64xi32, #tpu.memory_space<smem>>, %arg3: memref<2xi32, #tpu.memory_space<smem>>, %arg4: memref<2xi32, #tpu.memory_space<smem>>) -> (i32, i32, i32) {
    %c0_i32 = arith.constant 0 : i32
    %c0_i32_0 = arith.constant 0 : i32
    return %arg0, %arg1, %c0_i32 : i32, i32, i32
  }
  func.func @transform_2(%arg0: i32, %arg1: i32, %arg2: memref<64xi32, #tpu.memory_space<smem>>, %arg3: memref<2xi32, #tpu.memory_space<smem>>, %arg4: memref<2xi32, #tpu.memory_space<smem>>) -> (i32, i32, i32) {
    %c0_i32 = arith.constant 0 : i32
    %c0_i32_0 = arith.constant 0 : i32
    return %arg0, %arg1, %c0_i32 : i32, i32, i32
  }
}

</mosaic_0001>

<sc_bundles>
// kernel: kernel.4.cloned.1.call-start
scs
__scs_entry_jumppad:
0x0: {  	(pc) =	sbr.rel $0x88, $3  }
0x1: {  	(tag) =	ssettag $0x0;
	lr =	simm.s32 $0x1  }
0x2: {  	[smem:$0x3F9D] =	sst lr;
	_ =	strace $0xD0000000  }
0x3: {  	_ = 	snop  }
0x4: {  	_ = 	snop  }
0x5: {  	_ = 	snop  }
0x6: {  	_ = 	snop  }
0x7: {  	_ = 	snop  }
__scs_overlays_trampoline_lowered:
0x8: {  	[smem:$0x3FAC] =	sst s0  }
0x9: {  	[smem:$0x3FAD] =	sst s1  }
0xa: {  	[smem:$0x3FAE] =	sst s2  }
0xb: {  	[smem:$0x3FAF] =	sst s3  }
0xc: {  	[smem:$0x3FB0] =	sst s4  }
0xd: {  	[smem:$0x3FB1] =	sst s5  }
0xe: {  	[smem:$0x3FB2] =	sst s6  }
0xf: {  	[smem:$0x3FB3] =	sst s7  }
0x10: {  	[smem:$0x3FB4] =	sst s8  }
0x11: {  	[smem:$0x3FB5] =	sst s9;
	s0 =	simm.s32 @!p0 $0x0  }
0x12: {  	s1 =	sld [smem:$0x3F9B];
	s0 =	simm.s32 @p0 $0x1  }
0x13: {  	[smem:$0x3FB6] =	sst s0;
	s0 =	simm.s32 @!p1 $0x0  }
0x14: {  	s2 =	sld [smem:$0x3F9A];
	s0 =	simm.s32 @p1 $0x1  }
0x15: {  	[smem:$0x3FB7] =	sst s0;
	s0 =	simm.s32 @!p2 $0x0  }
0x16: {  	s3 =	sld [smem:$0x3FDB];
	s0 =	simm.s32 @p2 $0x1  }
0x17: {  	s4 =	simm.s32 $0x1BF5;
	[smem:$0x3FB9] =	sst s0  }
0x18: {  	s0 =	sld [smem:$0x3F9C];
	_ =	swait.ge [sflag:s4], $0x0  }
0x19: {  	s7 =	sld [smem:$0x3F9D]  }
0x1a: {  	s8 =	sadd.s32 $0xFFFFE003, lr  }
0x1b: {  	s9 =	sadd.s32 $0xFFFFFEF7, lr;
	s5 =	simm.s32 $0xFFFFFFFF;
	p2 =	slt.u32 s8, $0xFFFFF086  }
0x1c: {  	p1 =	slt.u32 s9, $0xF7A;
	s5 =	simm.s32 @!p2 $0x0  }
0x1d: {  	s5 =	simm.s32 @p1 $0x1;
	p0 =	seq.s32 s7, s2  }
0x1e: {  	s7 =	smul.u32 @!p0 $0xF7A, s2;
	p2 =	seq.s32 @!p0 s5, $0x0  }
0x1f: {  	s9 =	smul.u32 $0xF7A, s1;
	s8 =	simm.s32 @!p0 $0x1BF5;
	p2 =	por !p2, p0  }
0x20: {  	[sflag:s8] =	ssyncset.s32 @!p0 $0xFFFFF086;
	s6 =	sadd.s32 @!p0 s3, s7;
	s7 =	simm.s32 @!p0 $0x108  }
0x21: {  	s3 =	sadd.s32 s3, s9;
	s6 =	sadd.s32 @!p0 $0x88, s6;
	s7 =	simm.s32 @p2 $0x1082  }
0x22: {  	[simem:s7], [sflag:s8] =	dma.local @!p0 [hbm:s6], $0xF7A  }
0x23: {  	s9 =	sor.u32 $0xD0000000, s2;
	s6 =	simm.s32 $0x108;
	_ =	swait.ge @!p0 [sflag:s8], $0x0  }
0x24: {  	s3 =	sadd.s32 $0x88, s3;
	s6 =	simm.s32 @!p1 $0x1082;
	[sflag:s4] =	ssyncset.s32 $0xFFFFF086  }
0x25: {  	[simem:s6], [sflag:s4] =	dma.local [hbm:s3], $0xF7A  }
0x26: {  	[smem:$0x3F9D] =	sst s1;
	(tag) =	ssettag s2;
	_ =	strace s9  }
0x27: {  	s1 =	sld [smem:$0x3FAD]  }
0x28: {  	s2 =	sld [smem:$0x3FAE]  }
0x29: {  	s4 =	sld [smem:$0x3FB0]  }
0x2a: {  	p0 =	seq.s32 s5, $0x0;
	s5 =	sld [smem:$0x3FB1]  }
0x2b: {  	s6 =	sld [smem:$0x3FB2]  }
0x2c: {  	s7 =	sld [smem:$0x3FB3]  }
0x2d: {  	s3 =	simm.s32 $0x108;
	s8 =	sld [smem:$0x3FB4]  }
0x2e: {  	s3 =	simm.s32 @!p0 $0x1082;
	s9 =	sld [smem:$0x3FB5]  }
0x2f: {  	lr =	sadd.s32 s0, s3;
	s0 =	sld [smem:$0x3FAC]  }
0x30: {  	s3 =	sld [smem:$0x3FAF]  }
0x31: {  	[smem:$0x3FB8] =	sst s10  }
0x32: {  	s10 =	sld [smem:$0x3FB6];
	_ =	sdelay $0x3  }
0x33: {  	p0 =	seq.s32 s10, $0x1;
	s10 =	sld [smem:$0x3FB8];
	_ =	sdelay $0x3  }
0x34: {  	[smem:$0x3FB8] =	sst s10  }
0x35: {  	s10 =	sld [smem:$0x3FB7];
	_ =	sdelay $0x3  }
0x36: {  	p1 =	seq.s32 s10, $0x1;
	s10 =	sld [smem:$0x3FB8];
	_ =	sdelay $0x3  }
0x37: {  	[smem:$0x3FB8] =	sst s10  }
0x38: {  	s10 =	sld [smem:$0x3FB9]  }
0x39: {  	_ = 	snop;
	(pc) =	sbr.ind lr, $3  }
0x3a: {  	_ = 	snop  }
0x3b: {  	_ = 	snop  }
0x3c: {  	p2 =	seq.s32 s10, $0x1;
	s10 =	sld [smem:$0x3FB8]  }
0x3d: {  	_ =	shalt  }
0x3e: {  	_ =	shalt  }
0x3f: {  	_ =	shalt  }
0x40: {  	_ =	shalt  }
0x41: {  	_ =	shalt  }
0x42: {  	_ =	shalt  }
0x43: {  	_ =	shalt  }
0x44: {  	_ =	shalt  }
0x45: {  	_ =	shalt  }
0x46: {  	_ =	shalt  }
0x47: {  	_ =	shalt  }
0x48: {  	_ =	shalt  }
0x49: {  	_ =	shalt  }
0x4a: {  	_ =	shalt  }
0x4b: {  	_ =	shalt  }
0x4c: {  	_ =	shalt  }
0x4d: {  	_ =	shalt  }
0x4e: {  	_ =	shalt  }
0x4f: {  	_ =	shalt  }
0x50: {  	_ =	shalt  }
0x51: {  	_ =	shalt  }
0x52: {  	_ =	shalt  }
0x53: {  	_ =	shalt  }
0x54: {  	_ =	shalt  }
0x55: {  	_ =	shalt  }
0x56: {  	_ =	shalt  }
0x57: {  	_ =	shalt  }
0x58: {  	_ =	shalt  }
0x59: {  	_ =	shalt  }
0x5a: {  	_ =	shalt  }
0x5b: {  	_ =	shalt  }
0x5c: {  	_ =	shalt  }
0x5d: {  	_ =	shalt  }
0x5e: {  	_ =	shalt  }
0x5f: {  	_ =	shalt  }
0x60: {  	_ =	shalt  }
0x61: {  	_ =	shalt  }
0x62: {  	_ =	shalt  }
0x63: {  	_ =	shalt  }
0x64: {  	_ =	shalt  }
0x65: {  	_ =	shalt  }
0x66: {  	_ =	shalt  }
0x67: {  	_ =	shalt  }
0x68: {  	_ =	shalt  }
0x69: {  	_ =	shalt  }
0x6a: {  	_ =	shalt  }
0x6b: {  	_ =	shalt  }
0x6c: {  	_ =	shalt  }
0x6d: {  	_ =	shalt  }
0x6e: {  	_ =	shalt  }
0x6f: {  	_ =	shalt  }
0x70: {  	_ =	shalt  }
0x71: {  	_ =	shalt  }
0x72: {  	_ =	shalt  }
0x73: {  	_ =	shalt  }
0x74: {  	_ =	shalt  }
0x75: {  	_ =	shalt  }
0x76: {  	_ =	shalt  }
0x77: {  	_ =	shalt  }
0x78: {  	_ =	shalt  }
0x79: {  	_ =	shalt  }
0x7a: {  	_ =	shalt  }
0x7b: {  	_ =	shalt  }
0x7c: {  	_ =	shalt  }
0x7d: {  	_ =	shalt  }
0x7e: {  	_ =	shalt  }
0x7f: {  	_ =	shalt  }
0x80: {  	_ =	shalt  }
0x81: {  	_ =	shalt  }
0x82: {  	_ =	shalt  }
0x83: {  	_ =	shalt  }
0x84: {  	_ =	shalt  }
0x85: {  	_ =	shalt  }
0x86: {  	_ =	shalt  }
0x87: {  	_ =	shalt  }
.Lfunc_end0:
.L_simem_size_0:
called_computation_lowered:
.L_overlay_start_0:
0x88: {  	s2 =	sld [smem:$0x3FD9]  }
0x89: {  	s3 =	sld [smem:$0x3FFE];
	_ =	sdelay $0x1  }
0x8a: {  	s1 =	srdreg.scid  }
0x8b: {  	s0 =	sand.u32 $0x1, s1  }
0x8c: {  	s17 =	sshll.u32 s0, $0xA;
	s2 =	sadd.s32 s3, s2  }
0x8d: {  	s2 =	sadd.s32 s2, s17  }
0x8e: {  	[smem:$0x3FC4] =	sst s2  }
0x8f: {  	_ = 	snop  }
0x90: {  	s2 =	sld [smem:$0x3FC9]  }
0x91: {  	s18 =	sld [smem:$0x3FD0];
	(tm) =	ssettm $0x1  }
0x92: {  	s4 =	sld [smem:$0x3FFB];
	_ =	sdelay $0x3  }
0x93: {  	_ =	strace s4  }
0x94: {  	s4 =	sld [smem:$0x3FFC];
	_ =	sdelay $0x3  }
0x95: {  	_ =	strace s4  }
0x96: {  	s4 =	sld [smem:$0x3FFD];
	_ =	sdelay $0x3  }
0x97: {  	_ =	strace s4  }
0x98: {  	_ =	strace $0x8FFFFFFF  }
0x99: {  	s19 =	sld [smem:$0x3FDB];
	_ =	sdelay $0x1  }
0x9a: {  	s5 =	simm.s32 $_scs_section_size  }
0x9b: {  	s6 =	simm.s32 $_size__tile_overlayer_lowered;
	s7 =	simm.s32 $_tile_overlayer_lowered  }
0x9c: {  	s22 =	simm.s32 $0x1BFF;
	s21 =	sshll.u32 s7, $0x1;
	s4 =	sadd.s32 s5, s19  }
0x9d: {  	s8 =	simm.s32 $0x0;
	s20 =	sshll.u32 s6, $0x1;
	s6 =	sadd.s32 s21, s4  }
0x9e: {  	[timem:s8], [sflag:s22] =	dma.local [hbm:s6], s20  }
0x9f: {  	_ =	swait.ge [sflag:s22], s20  }
0xa0: {  	s5 =	ssub.s32 $0x0, s20;
	[sflag:s22] =	ssyncset.done $0x0  }
0xa1: {  	[sflag:s22] =	ssyncadd.s32 s5;
	_ =	sdelay $0x1  }
0xa2: {  	s23 =	simm.s32 $0x1B8B  }
0xa3: {  	_ =	swait.ge [sflag:s23], $0x1  }
0xa4: {  	[sflag:s23] =	ssyncset.done $0x0  }
0xa5: {  	s25 =	simm.s32 $0x1B8E;
	s24 =	sld [smem:$0x3FFE];
	[sflag:s23] =	ssyncadd.s32 $0xFFFFFFFF  }
0xa6: {  	s26 =	simm.s32 $execute0_lowered;
	[smem:$0x3FD2] =	sst s25  }
0xa7: {  	s6 =	sshll.u32 s26, $0x1;
	_ =	strace $0x80000046;
	[dreg:$0x1] =	wrdreg $0xFFFFFFFF  }
0xa8: {  	s28 =	simm.s32 $_size_execute0_lowered;
	s4 =	sadd.s32 s4, s6;
	[dreg:$0x0] =	wrdreg $0x0  }
0xa9: {  	s6 =	sshll.u32 s28, $0x1;
	[dreg:$0x2] =	wrdreg s4  }
0xaa: {  	[dreg:$0x3] =	wrdreg s6  }
0xab: {  	[dreg:$0x4] =	wrdreg $0xC0  }
0xac: {  	_ =	task [dreg:s8], $0x5FFFF  }
0xad: {  	[dreg:$0x1] =	wrdreg $0xFFFFFFFF  }
0xae: {  	[dreg:$0x0] =	wrdreg $0x60  }
0xaf: {  	[dreg:$0x2] =	wrdreg s2  }
0xb0: {  	[dreg:$0x3] =	wrdreg s24  }
0xb1: {  	[dreg:$0x4] =	wrdreg s18  }
0xb2: {  	[dreg:$0x5] =	wrdreg $0x9  }
0xb3: {  	_ =	task.clear_ibuf [dreg:s8], $0x6FFFF;
	_ =	strace $0x90000046  }
0xb4: {  	s29 =	simm.s32 $0x9;
	_ =	strace $0x80000048  }
0xb5: {  	_ =	swait.ge [sflag:s29], $0x1  }
0xb6: {  	[sflag:s29] =	ssyncadd.s32 $0xFFFFFFFF  }
0xb7: {  	_ =	strace $0x90000048  }
0xb8: {  	_ =	sfence  }
0xb9: {  	s30 =	sld [smem:$0x0];
	_ =	sdelay $0x2  }
0xba: {  	s31 =	sshll.u32 s1, $0xD;
	s1 =	sshrl.u32 s1, $0x2  }
0xbb: {  	s3 =	sand.u32 $0x4000, s31;
	s1 =	sadd.s32 s1, s30  }
0xbc: {  	s0 =	sor.u32 s3, s0;
	s1 =	sshll.u32 s1, $0x11  }
0xbd: {  	s0 =	sor.u32 s1, s0  }
0xbe: {  	s0 =	sadd.s32 $0x8F2B, s0  }
0xbf: {  	[sflag:s0] =	ssyncadd.remote.s32 $0x1  }
0xc0: {  	_ =	sfence.sel $0xFFFF  }
0xc1: {  	[dreg:$0x0] =	wrdreg $0xFFFFFFFF;
	(pc) =	sbr.abs _section_cstart, $3  }
0xc2: {  	[dreg:$0x1] =	wrdreg $0xFFFFFFFF  }
0xc3: {  	_ =	task.clear_ibuf [dreg:s8], $0x2FFFF;
	_ =	strace $0x9FFFFFFF  }
0xc4: {  	(tm) =	ssettm $0x7FFFFFFF  }
0xc5: {  	_ =	shalt  }
tec
execute0_lowered:
.L_overlay_start_1:
0x0: {  	(tag) =	ssettag $0x1  }
0x1: {  	s1 =	rddreg [dreg:$0x0]  }
0x2: {  	s2 =	srdreg.scid;
	s0 =	stileid.u32  }
0x3: {  	s4 =	rddreg [dreg:$0x1];
	s2 =	sand.u32 $0x1, s2;
	s3 =	sshll.u32 s0, $0x1  }
0x4: {  	s5 =	rddreg [dreg:$0x2];
	s6 =	sor.u32 s2, s3;
	s3 =	simm.s32 $0x0  }
0x5: {  	s15 =	simm.s32 $0x80;
	s16 =	simm.s32 $0x100;
	[smem:$0x7FF] =	sst s3  }
0x6: {  	s17 =	simm.s32 $0x980;
	_ =	strace $0x80000047;
	[dreg:$0x8] =	wrdreg s15  }
0x7: {  	s18 =	simm.s32 $0x1180;
	s19 =	simm.s32 $0x1980;
	[dreg:$0x9] =	wrdreg s16  }
0x8: {  	s20 =	simm.s32 $0x2180;
	s22 =	simm.s32 $0x2980;
	[dreg:$0xa] =	wrdreg s17  }
0x9: {  	s23 =	simm.s32 $0x3180;
	s24 =	simm.s32 $0x3980;
	[dreg:$0xb] =	wrdreg s18  }
0xa: {  	s25 =	simm.s32 $0x4180;
	s8 =	simm.s32 $0x4980;
	[dreg:$0xc] =	wrdreg s19  }
0xb: {  	s9 =	simm.s32 $0x5180;
	s10 =	simm.s32 $0x5980;
	[dreg:$0xd] =	wrdreg s20  }
0xc: {  	v2 =	vlaneseq.u32;
	vm0 =	vmmov $0xffff;
	s11 =	simm.s32 $0x6180;
	s12 =	simm.s32 $0x6980;
	[dreg:$0xe] =	wrdreg s22  }
0xd: {  	v3 =	vimm.s32 $0x4380;
	vm1 =	vcmask $0x300;
	v4 =	vimm.s32 $0xC380;
	s26 =	simm.s32 $0x7180;
	s28 =	simm.s32 $0xE180;
	[dreg:$0xf] =	wrdreg s23  }
0xe: {  	vm2 =	vcmask $0x704;
	s29 =	simm.s32 $0xE980;
	s30 =	simm.s32 $0xF180;
	v1 =	vshrl.u32 v2, $0x3;
	v0 =	vand.u32 $0x7, v2;
	[dreg:$0x10] =	wrdreg s24  }
0xf: {  	s31 =	simm.s32 $0xF980;
	v3 =	vsel vm1, $0x0, v3;
	v4 =	vsel vm1, $0x8000, v4;
	vm1 =	vcmask $0xB08;
	s2 =	ssub.s32 $0x2, s2;
	[dreg:$0x11] =	wrdreg s25  }
0x10: {  	v2 =	vor.u32 $0x8, v2;
	v3 =	vsel vm2, $0x80, v3;
	v4 =	vsel vm2, $0x8080, v4;
	s7 =	sshll.u32 s6, $0x4;
	s6 =	sshll.u32 s6, $0xD;
	[dreg:$0x12] =	wrdreg s8  }
0x11: {  	vm2 =	vcmask $0xF0C;
	s21 =	sshrl.u32 s2, $0x1;
	v3 =	vsel vm1, $0x100, v3;
	v4 =	vsel vm1, $0x8100, v4;
	s4 =	sadd.s32 s7, s4;
	[dreg:$0x13] =	wrdreg s9  }
0x12: {  	vm1 =	vcmask $0x1310;
	s14 =	sadd.s32 s5, s6;
	s2 =	ssub.s32 s2, s21;
	v3 =	vsel vm2, $0x180, v3;
	v4 =	vsel vm2, $0x8180, v4;
	[dreg:$0x14] =	wrdreg s10  }
0x13: {  	s5 =	sadd.s32 $0x200, s1;
	s6 =	sadd.s32 $0x300, s1;
	vm2 =	vcmask $0x1714;
	[dreg:$0x15] =	wrdreg s11;
	v3 =	vsel vm1, $0x200, v3;
	v4 =	vsel vm1, $0x8200, v4  }
0x14: {  	s8 =	sadd.s32 $0x500, s1;
	s9 =	sadd.s32 $0x600, s1;
	[dreg:$0x16] =	wrdreg s12;
	vm1 =	vcmask $0x1B18;
	v3 =	vsel vm2, $0x280, v3;
	v4 =	vsel vm2, $0x8280, v4  }
0x15: {  	s10 =	sadd.s32 $0x700, s1;
	s12 =	simm.s32 $0x2;
	[dreg:$0x17] =	wrdreg s26;
	vm2 =	vcmask $0x1F1C;
	v3 =	vsel vm1, $0x300, v3;
	v4 =	vsel vm1, $0x8300, v4  }
0x16: {  	s15 =	simm.s32 $0x8180;
	s16 =	simm.s32 $0x8980;
	s17 =	simm.s32 $0x9180;
	vm1 =	vcmask $0x2320;
	v3 =	vsel vm2, $0x380, v3;
	v4 =	vsel vm2, $0x8380, v4  }
0x17: {  	s18 =	simm.s32 $0x9980;
	s19 =	simm.s32 $0xA180;
	s20 =	simm.s32 $0xA980;
	vm2 =	vcmask $0x2724;
	v3 =	vsel vm1, $0x4000, v3;
	v4 =	vsel vm1, $0xC000, v4  }
0x18: {  	s21 =	simm.s32 $0xB180;
	s22 =	simm.s32 $0xB980;
	s23 =	simm.s32 $0xC180;
	vm1 =	vcmask $0x2B28;
	v3 =	vsel vm2, $0x4080, v3;
	v4 =	vsel vm2, $0xC080, v4  }
0x19: {  	s24 =	simm.s32 $0xC980;
	s7 =	sadd.s32 $0x1200, s4;
	[dreg:$0x7] =	wrdreg s14;
	vm2 =	vcmask $0x2F2C;
	v3 =	vsel vm1, $0x4100, v3;
	v4 =	vsel vm1, $0xC100, v4  }
0x1a: {  	s25 =	simm.s32 $0xD180;
	s13 =	sadd.s32 $0x1400, s4;
	[dreg:$0x4] =	wrdreg s7;
	vm1 =	vcmask $0x3330;
	v3 =	vsel vm2, $0x4180, v3;
	v4 =	vsel vm2, $0xC180, v4  }
0x1b: {  	s26 =	simm.s32 $0xD980;
	s4 =	sadd.s32 $0x1000, s4;
	[dreg:$0x5] =	wrdreg s13;
	vm2 =	vcmask $0x3734;
	v3 =	vsel vm1, $0x4200, v3;
	v4 =	vsel vm1, $0xC200, v4  }
0x1c: {  	s11 =	smax.u32 s2, $0x1;
	s2 =	simm.s32 $0x1;
	[dreg:$0x6] =	wrdreg s4;
	vm1 =	vcmask $0x3B38;
	v3 =	vsel vm2, $0x4280, v3;
	v4 =	vsel vm2, $0xC280, v4  }
0x1d: {  	v1 =	vmul.u32 $0x8, v1;
	s4 =	sadd.s32 $0x100, s1;
	s7 =	sadd.s32 $0x400, s1;
	s13 =	simm.s32 $0x180;
	v3 =	vsel vm1, $0x4300, v3;
	v4 =	vsel vm1, $0xC300, v4  }
.LBB2_1:
0x1e: {  	s0 =	rddreg [dreg:$0x4]  }
0x1f: {  	[tilespmem:s3], [sflag:$0x2] =	stream.linear.gather [hbm4b:s0+s3], $0x80, $0x38;
	[tilespmem:$0x10180] =	vst v63  }
0x20: {  	_ =	swait.ge [sflag:s12], $0x80  }
0x21: {  	s0 =	rddreg [dreg:$0x5];
	[sflag:s12] =	ssyncset.done $0x0  }
0x22: {  	s14 =	rddreg [dreg:$0x8];
	[sflag:s12] =	ssyncadd.s32 $0xFFFFFF80  }
0x23: {  	[tilespmem:s14], [sflag:$0x2] =	stream.linear.gather [hbm4b:s0+s3], $0x80, $0x38;
	[tilespmem:$0x10180] =	vst v63  }
0x24: {  	_ =	swait.ge [sflag:s12], $0x80  }
0x25: {  	s0 =	rddreg [dreg:$0x6];
	[sflag:s12] =	ssyncset.done $0x0  }
0x26: {  	s14 =	rddreg [dreg:$0x9];
	[sflag:s12] =	ssyncadd.s32 $0xFFFFFF80  }
0x27: {  	[tilespmem:s14], [sflag:$0x2] =	stream.linear.gather [hbm4b:s0+s3], $0x80, $0x38;
	[tilespmem:$0x10180] =	vst v63  }
0x28: {  	_ =	swait.ge [sflag:s12], $0x80  }
0x29: {  	[sflag:s12] =	ssyncset.done $0x0  }
0x2a: {  	[sflag:s12] =	ssyncadd.s32 $0xFFFFFF80  }
0x2b: {  	v5 =	vld [tilespmem:$0x0];
	_ =	sdelay $0x4  }
0x2c: {  	v6 =	vshll.u32 v5, $0x4  }
0x2d: {  	v5 =	vand.u32 $0x7, v5;
	v6 =	vand.u32 $0xFFFFFF80, v6  }
0x2e: {  	v5 =	vor.u32 v5, v6  }
0x2f: {  	v6 =	vperm.xlane v5, v0;
	_ =	sdelay $0x1  }
0x30: {  	v6 =	vadd.s32 v1, v6;
	_ =	sdelay $0x4  }
0x31: {  	[tilespmem:s13], [sflag:$0x1] =	stream.indirect_vreg.gather [hbm4b:s1+s3], $0x80, v6, vm0, $0xb8;
	[tilespmem:$0x10180] =	vst v63  }
0x32: {  	s0 =	rddreg [dreg:$0xa]  }
0x33: {  	[tilespmem:s0], [sflag:$0x1] =	stream.indirect_vreg.gather [hbm4b:s4+s3], $0x80, v6, vm0, $0xb8;
	[tilespmem:$0x10180] =	vst v63  }
0x34: {  	s14 =	rddreg [dreg:$0xb]  }
0x35: {  	[tilespmem:s14], [sflag:$0x1] =	stream.indirect_vreg.gather [hbm4b:s5+s3], $0x80, v6, vm0, $0xb8;
	[tilespmem:$0x10180] =	vst v63  }
0x36: {  	s0 =	rddreg [dreg:$0xc]  }
0x37: {  	[tilespmem:s0], [sflag:$0x1] =	stream.indirect_vreg.gather [hbm4b:s6+s3], $0x80, v6, vm0, $0xb8;
	[tilespmem:$0x10180] =	vst v63  }
0x38: {  	s14 =	rddreg [dreg:$0xd]  }
0x39: {  	[tilespmem:s14], [sflag:$0x1] =	stream.indirect_vreg.gather [hbm4b:s7+s3], $0x80, v6, vm0, $0xb8;
	[tilespmem:$0x10180] =	vst v63  }
0x3a: {  	v5 =	vperm.xlane v5, v2;
	s0 =	rddreg [dreg:$0xe]  }
0x3b: {  	[tilespmem:s0], [sflag:$0x1] =	stream.indirect_vreg.gather [hbm4b:s8+s3], $0x80, v6, vm0, $0xb8;
	[tilespmem:$0x10180] =	vst v63  }
0x3c: {  	v5 =	vadd.s32 v1, v5;
	s14 =	rddreg [dreg:$0xf]  }
0x3d: {  	[tilespmem:s14], [sflag:$0x1] =	stream.indirect_vreg.gather [hbm4b:s9+s3], $0x80, v6, vm0, $0xb8;
	[tilespmem:$0x10180] =	vst v63  }
0x3e: {  	s0 =	rddreg [dreg:$0x10]  }
0x3f: {  	[tilespmem:s0], [sflag:$0x1] =	stream.indirect_vreg.gather [hbm4b:s10+s3], $0x80, v6, vm0, $0xb8;
	[tilespmem:$0x10180] =	vst v63  }
0x40: {  	s14 =	rddreg [dreg:$0x11]  }
0x41: {  	[tilespmem:s14], [sflag:$0x1] =	stream.indirect_vreg.gather [hbm4b:s1+s3], $0x80, v5, vm0, $0xb8;
	[tilespmem:$0x10180] =	vst v63  }
0x42: {  	s0 =	rddreg [dreg:$0x12]  }
0x43: {  	[tilespmem:s0], [sflag:$0x1] =	stream.indirect_vreg.gather [hbm4b:s4+s3], $0x80, v5, vm0, $0xb8;
	[tilespmem:$0x10180] =	vst v63  }
0x44: {  	s14 =	rddreg [dreg:$0x13]  }
0x45: {  	[tilespmem:s14], [sflag:$0x1] =	stream.indirect_vreg.gather [hbm4b:s5+s3], $0x80, v5, vm0, $0xb8;
	[tilespmem:$0x10180] =	vst v63  }
0x46: {  	s0 =	rddreg [dreg:$0x14]  }
0x47: {  	[tilespmem:s0], [sflag:$0x1] =	stream.indirect_vreg.gather [hbm4b:s6+s3], $0x80, v5, vm0, $0xb8;
	[tilespmem:$0x10180] =	vst v63  }
0x48: {  	s14 =	rddreg [dreg:$0x15]  }
0x49: {  	[tilespmem:s14], [sflag:$0x1] =	stream.indirect_vreg.gather [hbm4b:s7+s3], $0x80, v5, vm0, $0xb8;
	[tilespmem:$0x10180] =	vst v63  }
0x4a: {  	s0 =	rddreg [dreg:$0x16]  }
0x4b: {  	[tilespmem:s0], [sflag:$0x1] =	stream.indirect_vreg.gather [hbm4b:s8+s3], $0x80, v5, vm0, $0xb8;
	[tilespmem:$0x10180] =	vst v63  }
0x4c: {  	s14 =	rddreg [dreg:$0x17]  }
0x4d: {  	[tilespmem:s14], [sflag:$0x1] =	stream.indirect_vreg.gather [hbm4b:s9+s3], $0x80, v5, vm0, $0xb8;
	[tilespmem:$0x10180] =	vst v63  }
0x4e: {  	s14 =	simm.s32 $0x7980  }
0x4f: {  	[tilespmem:s14], [sflag:$0x1] =	stream.indirect_vreg.gather [hbm4b:s10+s3], $0x80, v5, vm0, $0xb8;
	[tilespmem:$0x10180] =	vst v63  }
0x50: {  	v5 =	vld [tilespmem:$0x10];
	_ =	sdelay $0x4  }
0x51: {  	v6 =	vshll.u32 v5, $0x4  }
0x52: {  	v5 =	vand.u32 $0x7, v5;
	v6 =	vand.u32 $0xFFFFFF80, v6  }
0x53: {  	v5 =	vor.u32 v5, v6  }
0x54: {  	v6 =	vperm.xlane v5, v0;
	_ =	sdelay $0x1  }
0x55: {  	v6 =	vadd.s32 v1, v6;
	_ =	sdelay $0x4  }
0x56: {  	[tilespmem:s15], [sflag:$0x1] =	stream.indirect_vreg.gather [hbm4b:s1+s3], $0x80, v6, vm0, $0xb8;
	[tilespmem:$0x10180] =	vst v63  }
0x57: {  	_ = 	snop  }
0x58: {  	[tilespmem:s16], [sflag:$0x1] =	stream.indirect_vreg.gather [hbm4b:s4+s3], $0x80, v6, vm0, $0xb8;
	[tilespmem:$0x10180] =	vst v63  }
0x59: {  	_ = 	snop  }
0x5a: {  	[tilespmem:s17], [sflag:$0x1] =	stream.indirect_vreg.gather [hbm4b:s5+s3], $0x80, v6, vm0, $0xb8;
	[tilespmem:$0x10180] =	vst v63  }
0x5b: {  	_ = 	snop  }
0x5c: {  	[tilespmem:s18], [sflag:$0x1] =	stream.indirect_vreg.gather [hbm4b:s6+s3], $0x80, v6, vm0, $0xb8;
	[tilespmem:$0x10180] =	vst v63  }
0x5d: {  	_ = 	snop  }
0x5e: {  	[tilespmem:s19], [sflag:$0x1] =	stream.indirect_vreg.gather [hbm4b:s7+s3], $0x80, v6, vm0, $0xb8;
	[tilespmem:$0x10180] =	vst v63  }
0x5f: {  	v5 =	vperm.xlane v5, v2  }
0x60: {  	[tilespmem:s20], [sflag:$0x1] =	stream.indirect_vreg.gather [hbm4b:s8+s3], $0x80, v6, vm0, $0xb8;
	[tilespmem:$0x10180] =	vst v63  }
0x61: {  	v5 =	vadd.s32 v1, v5  }
0x62: {  	[tilespmem:s21], [sflag:$0x1] =	stream.indirect_vreg.gather [hbm4b:s9+s3], $0x80, v6, vm0, $0xb8;
	[tilespmem:$0x10180] =	vst v63  }
0x63: {  	_ = 	snop  }
0x64: {  	[tilespmem:s22], [sflag:$0x1] =	stream.indirect_vreg.gather [hbm4b:s10+s3], $0x80, v6, vm0, $0xb8;
	[tilespmem:$0x10180] =	vst v63  }
0x65: {  	_ = 	snop  }
0x66: {  	[tilespmem:s23], [sflag:$0x1] =	stream.indirect_vreg.gather [hbm4b:s1+s3], $0x80, v5, vm0, $0xb8;
	[tilespmem:$0x10180] =	vst v63  }
0x67: {  	_ = 	snop  }
0x68: {  	[tilespmem:s24], [sflag:$0x1] =	stream.indirect_vreg.gather [hbm4b:s4+s3], $0x80, v5, vm0, $0xb8;
	[tilespmem:$0x10180] =	vst v63  }
0x69: {  	_ = 	snop  }
0x6a: {  	[tilespmem:s25], [sflag:$0x1] =	stream.indirect_vreg.gather [hbm4b:s5+s3], $0x80, v5, vm0, $0xb8;
	[tilespmem:$0x10180] =	vst v63  }
0x6b: {  	_ = 	snop  }
0x6c: {  	[tilespmem:s26], [sflag:$0x1] =	stream.indirect_vreg.gather [hbm4b:s6+s3], $0x80, v5, vm0, $0xb8;
	[tilespmem:$0x10180] =	vst v63  }
0x6d: {  	_ = 	snop  }
0x6e: {  	[tilespmem:s28], [sflag:$0x1] =	stream.indirect_vreg.gather [hbm4b:s7+s3], $0x80, v5, vm0, $0xb8;
	[tilespmem:$0x10180] =	vst v63  }
0x6f: {  	_ = 	snop  }
0x70: {  	[tilespmem:s29], [sflag:$0x1] =	stream.indirect_vreg.gather [hbm4b:s8+s3], $0x80, v5, vm0, $0xb8;
	[tilespmem:$0x10180] =	vst v63  }
0x71: {  	_ = 	snop  }
0x72: {  	[tilespmem:s30], [sflag:$0x1] =	stream.indirect_vreg.gather [hbm4b:s9+s3], $0x80, v5, vm0, $0xb8;
	[tilespmem:$0x10180] =	vst v63  }
0x73: {  	_ = 	snop  }
0x74: {  	[tilespmem:s31], [sflag:$0x1] =	stream.indirect_vreg.gather [hbm4b:s10+s3], $0x80, v5, vm0, $0xb8;
	[tilespmem:$0x10180] =	vst v63  }
0x75: {  	_ =	swait.ge [sflag:s2], $0x10000  }
0x76: {  	[sflag:s2] =	ssyncset.done $0x0  }
0x77: {  	[sflag:s2] =	ssyncadd.s32 $0xFFFF0000  }
0x78: {  	v5 =	vld [tilespmem:$0x80];
	_ =	sdelay $0x4  }
0x79: {  	v6 =	vshll.u32 v5, $0x3  }
0x7a: {  	v5 =	vand.u32 $0x7F, v5;
	v6 =	vand.u32 $0xFFFFFC00, v6  }
0x7b: {  	v5 =	vor.u32 v5, v6  }
0x7c: {  	v6 =	vld [tilespmem:$0x100];
	v5 =	vadd.s32 v3, v5;
	_ =	sdelay $0x4  }
0x7d: {  	[tilespmem:v5+s13+$0x0] =	vst.idx.add.f32.msk $0xffff, v6  }
0x7e: {  	v5 =	vld [tilespmem:$0x90];
	_ =	sdelay $0x4  }
0x7f: {  	v6 =	vshll.u32 v5, $0x3  }
0x80: {  	v5 =	vand.u32 $0x7F, v5;
	v6 =	vand.u32 $0xFFFFFC00, v6  }
0x81: {  	v5 =	vor.u32 v5, v6  }
0x82: {  	v6 =	vld [tilespmem:$0x110];
	v5 =	vadd.s32 v4, v5;
	_ =	sdelay $0x3  }
0x83: {  	p0 =	sne.s32 s11, $0x1  }
.Ltmp0:
0x84: {  	s14 =	rddreg [dreg:$0x7];
	[tilespmem:v5+s13+$0x0] =	vst.idx.add.f32.msk $0xffff, v6;
	(pc) =	sbr.rel @p0 .LBB2_1-.Ltmp0, $4  }
0x85: {  	[hbm4b:s14+s3] =	stream.linear.scatter [tilespmem:s13], [sflag:$0x2], $0x10000, $0x38;
	[tilespmem:$0x10180] =	vst v63  }
0x86: {  	_ =	swait.ge [sflag:s12], $0x10000  }
0x87: {  	[sflag:s12] =	ssyncset.done $0x0  }
0x88: {  	s11 =	sadd.s32 $0xFFFFFFFF, s11;
	[sflag:s12] =	ssyncadd.s32 $0xFFFF0000  }
0x89: {  	_ =	sfence.sel $0x180000  }
0x8a: {  	[bflag:$0x0] =	sbarrier.arrive $0xFFFF  }
0x8b: {  	_ =	strace $0x90000047  }
0x8c: {  	s0 =	stileid.u32;
	[bflag:$0x2] =	sbarrier.arrive $0xFFFF  }
0x8d: {  	p0 =	sne.s32 s0, $0x0;
	s0 =	rddreg [dreg:$0x3]  }
0x8e: {  	s0 =	sadd.s32 @!p0 $0x100000, s0  }
0x8f: {  	[sflag:s0] =	ssyncadd.tile.s32 @!p0 $0x1;
	_ =	shalt  }
.Lfunc_end2:
_tile_overlayer_lowered:
.L_overlay_start_2:
0x90: {  	(tag) =	ssettag $0x2  }
0x91: {  	s0 =	rddreg [dreg:$0x0];
	s2 =	stileid.u32  }
0x92: {  	s1 =	rddreg [dreg:$0x1];
	p0 =	sne.s32 s2, $0x0  }
0x93: {  	s3 =	rddreg [dreg:$0x2];
	[bflag:$0x3] =	sbarrier.arrive $0xFFFF;
	s2 =	simm.s32 @!p0 $0x1C02  }
0x94: {  	[timem:s3], [sflag:s2] =	dma.local @!p0 [hbm:s0], s1  }
0x95: {  	s0 =	simm.s32 @!p0 $0x2  }
0x96: {  	_ =	swait.ge @!p0 [sflag:s0], s1  }
0x97: {  	s1 =	ssub.s32 @!p0 $0x0, s1;
	[sflag:s0] =	ssyncset.done @!p0 $0x0  }
0x98: {  	[sflag:s0] =	ssyncadd.s32 @!p0 s1  }
0x99: {  	[bflag:$0x3] =	sbarrier.arrive $0xFFFF  }
0x9a: {  	_ =	shalt  }

</sc_bundles>
